<compile_context>
chip_gen: v7x
topology: tpu7x:2x2x1
jax: 0.10.2.dev20260603
libtpu: 0.0.44.dev20260713+nightly
codegen_flags: <defaults>
</compile_context>

<pallas_src>
import functools

import jax
import jax.numpy as jnp
from jax import lax
from jax.experimental import pallas as pl
from jax.experimental.pallas import tpu as pltpu
from jax.experimental.pallas import tpu_sc as plsc

D_MODEL = 1024
VOCAB = 60
LANES = 16
NW = 32
DEPTH = 16
PER_W = 512
ROWS = NW * PER_W


def _build():
  mesh = plsc.VectorSubcoreMesh(core_axis_name="c", subcore_axis_name="s")

  @functools.partial(
      pl.kernel,
      mesh=mesh,
      out_type=jax.ShapeDtypeStruct((4, ROWS // 4, 1, D_MODEL), jnp.float32),
      scratch_types=[
          pltpu.VMEM((VOCAB, D_MODEL), jnp.float32),
          pltpu.VMEM((PER_W + LANES,), jnp.int32),
          pltpu.SemaphoreType.DMA,
          pltpu.SemaphoreType.DMA,
      ],
  )
  def emb(table_hbm, idx_hbm, out_hbm, tab_v, idx_v, sem, sem_in):
    wid = lax.axis_index("s") * 2 + lax.axis_index("c")
    cp_tab = pltpu.async_copy(table_hbm, tab_v, sem_in)
    cp_idx = pltpu.async_copy(idx_hbm.at[pl.ds(wid * PER_W, PER_W)],
                              idx_v.at[pl.ds(0, PER_W)], sem_in)
    cp_tab.wait()
    cp_idx.wait()

    row0 = wid * PER_W
    bidx = row0 // 4096
    t0 = row0 % 4096

    def fire(j):
      iv = idx_v[pl.ds(j, LANES)]
      v = iv[0]
      pltpu.async_copy(
          tab_v.at[pl.ds(v, 1)],
          out_hbm.at[bidx, pl.ds(t0 + j, 1), 0],
          sem)

    def wait_one():
      pltpu.make_async_copy(
          tab_v.at[pl.ds(0, 1)],
          out_hbm.at[bidx, pl.ds(t0, 1), 0],
          sem).wait()

    def prime(j, _):
      fire(j)
      return 0

    lax.fori_loop(0, DEPTH, prime, 0)

    def body(j, _):
      wait_one()
      fire(j + DEPTH)
      return 0

    lax.fori_loop(0, PER_W - DEPTH, body, 0)

    def drain(j, _):
      wait_one()
      return 0

    lax.fori_loop(0, DEPTH, drain, 0)

  return emb


_emb = _build()


def kernel(x_mark, W):
  idx = x_mark[:, :, 1].reshape(ROWS).astype(jnp.int32)
  return _emb(W, idx)

# --- scband reference (transcript-rebuilt; emitter-appended) ---
"""Pipeline reference for scband-t-embedding-16621523436364 (READ-ONLY COPY).

The authoritative reference and input builder live on the scoring server;
editing this copy changes nothing except your own understanding.
"""

import jax, jax.numpy as jnp
import numpy as np

D_MODEL = 1024
VOCAB = 60
B, L, F = 4, 4096, 5

def setup_inputs(seed: int = 0) -> dict:
    key = jax.random.key(seed)
    k1, k2 = jax.random.split(key)
    x_mark = jax.random.randint(k1, (B, L, F), 0, VOCAB, dtype=jnp.int64 if jax.config.jax_enable_x64 else jnp.int32).astype(jnp.int32)
    # learned embedding table (nn.Embedding default init ~ N(0,1))
    W = jax.random.normal(k2, (VOCAB, D_MODEL), dtype=jnp.float32)
    return {"x_mark": x_mark, "W": W}

def reference(x_mark, W):
    # x_mark = x_mark.long()[:, :, 1:2]
    idx = x_mark.astype(jnp.int32)[:, :, 1:2]  # [B, L, 1]
    # nn.Embedding lookup -> [B, L, 1, d_model]
    out = jnp.take(W, idx, axis=0)
    return out

if __name__ == "__main__":
    import jax
    _d = setup_inputs()
    print(jax.jit(kernel)(*tuple(_d.values())))

</pallas_src>

<mosaic_0001>
#map = affine_map<(d0, d1) -> (0, 0)>
#map1 = affine_map<(d0, d1) -> (0)>
#map2 = affine_map<(d0, d1) -> (0, 0, 0, 0)>
module attributes {stable_mosaic.version = 14 : i64} {
  func.func @emb(%arg0: i32, %arg1: i32, %arg2: memref<60x1024xf32, #tpu.memory_space<hbm>>, %arg3: memref<16384xi32, #tpu.memory_space<hbm>>, %arg4: memref<4x4096x1x1024xf32, #tpu.memory_space<hbm>>, %arg5: memref<60x1024xf32, #tpu.memory_space<vmem>>, %arg6: memref<528xi32, #tpu.memory_space<vmem>>, %arg7: memref<!tpu.dma_semaphore, #tpu.memory_space<semaphore_mem>>, %arg8: memref<!tpu.dma_semaphore, #tpu.memory_space<semaphore_mem>>) attributes {dimension_semantics = [#tpu.dimension_semantics<core_parallel>, #tpu.dimension_semantics<subcore_parallel>], iteration_bounds = array<i64: 2, 16>, scalar_prefetch = 0 : i64, scratch_operands = 4 : i64, tpu.core_type = #tpu.core_type<sc_vector_subcore>, window_params = [{transform_indices = #map}, {transform_indices = #map1}, {transform_indices = #map2}]} {
    %mul3A = arith.constant 2 : i32
    %mul3A_0 = arith.muli %arg1, %mul3A : i32
    %add3A = arith.addi %mul3A_0, %arg0 : i32
    tpu.enqueue_dma source(%arg2 : memref<60x1024xf32, #tpu.memory_space<hbm>>) target(%arg5 : memref<60x1024xf32, #tpu.memory_space<vmem>>) target_semaphore(%arg8 : memref<!tpu.dma_semaphore, #tpu.memory_space<semaphore_mem>>)
    %mul3A_1 = arith.constant 512 : i32
    %mul3A_2 = arith.muli %add3A, %mul3A_1 : i32
    %dma_start3A = arith.constant 0 : i32
    %dma_start3A_3 = tpu.memref_slice %arg6[%dma_start3A] : memref<528xi32, #tpu.memory_space<vmem>> -> memref<512xi32, #tpu.memory_space<vmem>>
    %dma_start3A_4 = tpu.memref_slice %arg3[%mul3A_2] : memref<16384xi32, #tpu.memory_space<hbm>> -> memref<512xi32, #tpu.memory_space<hbm>>
    %dma_start3A_5 = arith.constant 0 : i32
    %dma_start3A_6 = tpu.memref_slice %arg6[%dma_start3A_5] : memref<528xi32, #tpu.memory_space<vmem>> -> memref<512xi32, #tpu.memory_space<vmem>>
    %dma_start3A_7 = tpu.memref_slice %arg3[%mul3A_2] : memref<16384xi32, #tpu.memory_space<hbm>> -> memref<512xi32, #tpu.memory_space<hbm>>
    tpu.enqueue_dma source(%dma_start3A_7 : memref<512xi32, #tpu.memory_space<hbm>>) target(%dma_start3A_6 : memref<512xi32, #tpu.memory_space<vmem>>) target_semaphore(%arg8 : memref<!tpu.dma_semaphore, #tpu.memory_space<semaphore_mem>>)
    tpu.wait_dma2 semaphore(%arg8 : memref<!tpu.dma_semaphore, #tpu.memory_space<semaphore_mem>>) src(%arg2 : memref<60x1024xf32, #tpu.memory_space<hbm>>) dst(%arg5 : memref<60x1024xf32, #tpu.memory_space<vmem>>)
    %dma_wait3A = arith.constant 0 : i32
    %dma_wait3A_8 = tpu.memref_slice %arg6[%dma_wait3A] : memref<528xi32, #tpu.memory_space<vmem>> -> memref<512xi32, #tpu.memory_space<vmem>>
    %dma_wait3A_9 = tpu.memref_slice %arg3[%mul3A_2] : memref<16384xi32, #tpu.memory_space<hbm>> -> memref<512xi32, #tpu.memory_space<hbm>>
    %dma_wait3A_10 = arith.constant 0 : i32
    %dma_wait3A_11 = tpu.memref_slice %arg6[%dma_wait3A_10] : memref<528xi32, #tpu.memory_space<vmem>> -> memref<512xi32, #tpu.memory_space<vmem>>
    %dma_wait3A_12 = tpu.memref_slice %arg3[%mul3A_2] : memref<16384xi32, #tpu.memory_space<hbm>> -> memref<512xi32, #tpu.memory_space<hbm>>
    tpu.wait_dma2 semaphore(%arg8 : memref<!tpu.dma_semaphore, #tpu.memory_space<semaphore_mem>>) src(%dma_wait3A_12 : memref<512xi32, #tpu.memory_space<hbm>>) dst(%dma_wait3A_11 : memref<512xi32, #tpu.memory_space<vmem>>)
    %mul3A_13 = arith.constant 512 : i32
    %mul3A_14 = arith.muli %add3A, %mul3A_13 : i32
    %jit3A = arith.constant 4096 : i32
    %div3A = arith.divsi %mul3A_14, %jit3A : i32
    %sign3A = arith.constant 0 : i32
    %sign3A_15 = arith.cmpi sgt, %mul3A_14, %sign3A : i32
    %sign3A_16 = arith.extui %sign3A_15 : i1 to i32
    %sign3A_17 = arith.constant 0 : i32
    %sign3A_18 = arith.cmpi slt, %mul3A_14, %sign3A_17 : i32
    %sign3A_19 = arith.extui %sign3A_18 : i1 to i32
    %sign3A_20 = arith.subi %sign3A_16, %sign3A_19 : i32
    %sign3A_21 = arith.constant 0 : i32
    %sign3A_22 = arith.cmpi sgt, %jit3A, %sign3A_21 : i32
    %sign3A_23 = arith.extui %sign3A_22 : i1 to i32
    %sign3A_24 = arith.constant 0 : i32
    %sign3A_25 = arith.cmpi slt, %jit3A, %sign3A_24 : i32
    %sign3A_26 = arith.extui %sign3A_25 : i1 to i32
    %sign3A_27 = arith.subi %sign3A_23, %sign3A_26 : i32
    %ne3A = arith.cmpi ne, %sign3A_20, %sign3A_27 : i32
    %rem3A = arith.remsi %mul3A_14, %jit3A : i32
    %ne3A_28 = arith.constant 0 : i32
    %ne3A_29 = arith.cmpi ne, %rem3A, %ne3A_28 : i32
    %and3A = arith.andi %ne3A, %ne3A_29 : i1
    %sub3A = arith.constant 1 : i32
    %sub3A_30 = arith.subi %div3A, %sub3A : i32
    %select_n3A = arith.select %and3A, %sub3A_30, %div3A : i32
    %jit3A_31 = arith.constant 4096 : i32
    %eq3A = arith.constant 0 : i32
    %eq3A_32 = arith.cmpi eq, %jit3A_31, %eq3A : i32
    %jit3A_33 = arith.constant 1 : i32
    %select_n3A_34 = arith.select %eq3A_32, %jit3A_33, %jit3A_31 : i32
    %rem3A_35 = arith.remsi %mul3A_14, %select_n3A_34 : i32
    %ne3A_36 = arith.constant 0 : i32
    %ne3A_37 = arith.cmpi ne, %rem3A_35, %ne3A_36 : i32
    %lt3A = arith.constant 0 : i32
    %lt3A_38 = arith.cmpi slt, %rem3A_35, %lt3A : i32
    %lt3A_39 = arith.constant 0 : i32
    %lt3A_40 = arith.cmpi slt, %select_n3A_34, %lt3A_39 : i32
    %ne3A_41 = arith.xori %lt3A_38, %lt3A_40 : i1
    %and3A_42 = arith.andi %ne3A_41, %ne3A_37 : i1
    %add3A_43 = arith.addi %rem3A_35, %select_n3A_34 : i32
    %select_n3A_44 = arith.select %and3A_42, %add3A_43, %rem3A_35 : i32
    %scan3A = arith.constant 0 : i32
    %scan3A_45 = arith.constant 0 : i32
    %scan3A_46 = arith.constant 16 : i32
    %scan3A_47 = arith.addi %scan3A_45, %scan3A_46 : i32
    %scan3A_48 = arith.constant 1 : i32
    %scan3A_49 = scf.for %scan3A_65 = %scan3A_45 to %scan3A_47 step %scan3A_48 iter_args(%scan3A_66 = %scan3A) -> (i32)  : i32 {
      %get3A = arith.index_cast %scan3A_65 : i32 to index
      %get3A_67 = tpu.vector_load %arg6[%get3A] {strides = array<i32>} : memref<528xi32, #tpu.memory_space<vmem>>, vector<16xi32>,
      %get3A_68 = vector.shape_cast %get3A_67 : vector<16xi32> to vector<16xi32>
      %slice3A = vector.extract_strided_slice %get3A_68 {offsets = [0], sizes = [1], strides = [1]} : vector<16xi32> to vector<1xi32>
      %squeeze3A = vector.extract %slice3A[0] : i32 from vector<1xi32>
      %add3A_69 = arith.addi %select_n3A_44, %scan3A_65 : i32
      %dma_start3A_70 = arith.constant 0 : i32
      %dma_start3A_71 = arith.constant 0 : i32
      %dma_start3A_72 = tpu.memref_slice %arg5[%squeeze3A, %dma_start3A_71] : memref<60x1024xf32, #tpu.memory_space<vmem>> -> memref<1x1024xf32, #tpu.memory_space<vmem>>
      %dma_start3A_73 = arith.constant 0 : i32
      %dma_start3A_74 = tpu.memref_slice %arg4[%select_n3A, %add3A_69, %dma_start3A_70, %dma_start3A_73] : memref<4x4096x1x1024xf32, #tpu.memory_space<hbm>> -> memref<1x1x1x1024xf32, #tpu.memory_space<hbm>>
      %dma_start3A_75 = tpu.memref_squeeze %dma_start3A_74 : memref<1x1x1x1024xf32, #tpu.memory_space<hbm>> -> memref<1x1024xf32, #tpu.memory_space<hbm>>
      %dma_start3A_76 = arith.constant 0 : i32
      %dma_start3A_77 = tpu.memref_slice %arg4[%select_n3A, %add3A_69, %dma_start3A_70, %dma_start3A_76] : memref<4x4096x1x1024xf32, #tpu.memory_space<hbm>> -> memref<1x1x1x1024xf32, #tpu.memory_space<hbm>>
      %dma_start3A_78 = tpu.memref_squeeze %dma_start3A_77 : memref<1x1x1x1024xf32, #tpu.memory_space<hbm>> -> memref<1x1024xf32, #tpu.memory_space<hbm>>
      %dma_start3A_79 = arith.constant 0 : i32
      %dma_start3A_80 = tpu.memref_slice %arg5[%squeeze3A, %dma_start3A_79] : memref<60x1024xf32, #tpu.memory_space<vmem>> -> memref<1x1024xf32, #tpu.memory_space<vmem>>
      tpu.enqueue_dma source(%dma_start3A_80 : memref<1x1024xf32, #tpu.memory_space<vmem>>) target(%dma_start3A_78 : memref<1x1024xf32, #tpu.memory_space<hbm>>) target_semaphore(%arg7 : memref<!tpu.dma_semaphore, #tpu.memory_space<semaphore_mem>>)
      %scan3A_81 = arith.constant 0 : i32
      scf.yield %scan3A_81 : i32
    }
    %scan3A_50 = arith.constant 16 : i32
    %scan3A_51 = arith.constant 0 : i32
    %scan3A_52 = arith.constant 0 : i32
    %scan3A_53 = arith.constant 496 : i32
    %scan3A_54 = arith.addi %scan3A_52, %scan3A_53 : i32
    %scan3A_55 = arith.constant 1 : i32
    %scan3A_56 = scf.for %scan3A_65 = %scan3A_52 to %scan3A_54 step %scan3A_55 iter_args(%scan3A_66 = %scan3A_51) -> (i32)  : i32 {
      %dma_wait3A_67 = arith.constant 0 : i32
      %dma_wait3A_68 = arith.constant 0 : i32
      %dma_wait3A_69 = arith.constant 0 : i32
      %dma_wait3A_70 = tpu.memref_slice %arg5[%dma_wait3A_68, %dma_wait3A_69] : memref<60x1024xf32, #tpu.memory_space<vmem>> -> memref<1x1024xf32, #tpu.memory_space<vmem>>
      %dma_wait3A_71 = arith.constant 0 : i32
      %dma_wait3A_72 = tpu.memref_slice %arg4[%select_n3A, %select_n3A_44, %dma_wait3A_67, %dma_wait3A_71] : memref<4x4096x1x1024xf32, #tpu.memory_space<hbm>> -> memref<1x1x1x1024xf32, #tpu.memory_space<hbm>>
      %dma_wait3A_73 = tpu.memref_squeeze %dma_wait3A_72 : memref<1x1x1x1024xf32, #tpu.memory_space<hbm>> -> memref<1x1024xf32, #tpu.memory_space<hbm>>
      %dma_wait3A_74 = arith.constant 0 : i32
      %dma_wait3A_75 = tpu.memref_slice %arg4[%select_n3A, %select_n3A_44, %dma_wait3A_67, %dma_wait3A_74] : memref<4x4096x1x1024xf32, #tpu.memory_space<hbm>> -> memref<1x1x1x1024xf32, #tpu.memory_space<hbm>>
      %dma_wait3A_76 = tpu.memref_squeeze %dma_wait3A_75 : memref<1x1x1x1024xf32, #tpu.memory_space<hbm>> -> memref<1x1024xf32, #tpu.memory_space<hbm>>
      %dma_wait3A_77 = arith.constant 0 : i32
      %dma_wait3A_78 = arith.constant 0 : i32
      %dma_wait3A_79 = tpu.memref_slice %arg5[%dma_wait3A_77, %dma_wait3A_78] : memref<60x1024xf32, #tpu.memory_space<vmem>> -> memref<1x1024xf32, #tpu.memory_space<vmem>>
      tpu.wait_dma2 semaphore(%arg7 : memref<!tpu.dma_semaphore, #tpu.memory_space<semaphore_mem>>) src(%dma_wait3A_79 : memref<1x1024xf32, #tpu.memory_space<vmem>>) dst(%dma_wait3A_76 : memref<1x1024xf32, #tpu.memory_space<hbm>>)
      %add3A_80 = arith.constant 16 : i32
      %add3A_81 = arith.addi %scan3A_65, %add3A_80 : i32
      %get3A = arith.index_cast %add3A_81 : i32 to index
      %get3A_82 = tpu.vector_load %arg6[%get3A] {strides = array<i32>} : memref<528xi32, #tpu.memory_space<vmem>>, vector<16xi32>,
      %get3A_83 = vector.shape_cast %get3A_82 : vector<16xi32> to vector<16xi32>
      %slice3A = vector.extract_strided_slice %get3A_83 {offsets = [0], sizes = [1], strides = [1]} : vector<16xi32> to vector<1xi32>
      %squeeze3A = vector.extract %slice3A[0] : i32 from vector<1xi32>
      %add3A_84 = arith.addi %select_n3A_44, %add3A_81 : i32
      %dma_start3A_85 = arith.constant 0 : i32
      %dma_start3A_86 = arith.constant 0 : i32
      %dma_start3A_87 = tpu.memref_slice %arg5[%squeeze3A, %dma_start3A_86] : memref<60x1024xf32, #tpu.memory_space<vmem>> -> memref<1x1024xf32, #tpu.memory_space<vmem>>
      %dma_start3A_88 = arith.constant 0 : i32
      %dma_start3A_89 = tpu.memref_slice %arg4[%select_n3A, %add3A_84, %dma_start3A_85, %dma_start3A_88] : memref<4x4096x1x1024xf32, #tpu.memory_space<hbm>> -> memref<1x1x1x1024xf32, #tpu.memory_space<hbm>>
      %dma_start3A_90 = tpu.memref_squeeze %dma_start3A_89 : memref<1x1x1x1024xf32, #tpu.memory_space<hbm>> -> memref<1x1024xf32, #tpu.memory_space<hbm>>
      %dma_start3A_91 = arith.constant 0 : i32
      %dma_start3A_92 = tpu.memref_slice %arg4[%select_n3A, %add3A_84, %dma_start3A_85, %dma_start3A_91] : memref<4x4096x1x1024xf32, #tpu.memory_space<hbm>> -> memref<1x1x1x1024xf32, #tpu.memory_space<hbm>>
      %dma_start3A_93 = tpu.memref_squeeze %dma_start3A_92 : memref<1x1x1x1024xf32, #tpu.memory_space<hbm>> -> memref<1x1024xf32, #tpu.memory_space<hbm>>
      %dma_start3A_94 = arith.constant 0 : i32
      %dma_start3A_95 = tpu.memref_slice %arg5[%squeeze3A, %dma_start3A_94] : memref<60x1024xf32, #tpu.memory_space<vmem>> -> memref<1x1024xf32, #tpu.memory_space<vmem>>
      tpu.enqueue_dma source(%dma_start3A_95 : memref<1x1024xf32, #tpu.memory_space<vmem>>) target(%dma_start3A_93 : memref<1x1024xf32, #tpu.memory_space<hbm>>) target_semaphore(%arg7 : memref<!tpu.dma_semaphore, #tpu.memory_space<semaphore_mem>>)
      %scan3A_96 = arith.constant 0 : i32
      scf.yield %scan3A_96 : i32
    }
    %scan3A_57 = arith.constant 496 : i32
    %scan3A_58 = arith.constant 0 : i32
    %scan3A_59 = arith.constant 0 : i32
    %scan3A_60 = arith.constant 16 : i32
    %scan3A_61 = arith.addi %scan3A_59, %scan3A_60 : i32
    %scan3A_62 = arith.constant 1 : i32
    %scan3A_63 = scf.for %scan3A_65 = %scan3A_59 to %scan3A_61 step %scan3A_62 iter_args(%scan3A_66 = %scan3A_58) -> (i32)  : i32 {
      %dma_wait3A_67 = arith.constant 0 : i32
      %dma_wait3A_68 = arith.constant 0 : i32
      %dma_wait3A_69 = arith.constant 0 : i32
      %dma_wait3A_70 = tpu.memref_slice %arg5[%dma_wait3A_68, %dma_wait3A_69] : memref<60x1024xf32, #tpu.memory_space<vmem>> -> memref<1x1024xf32, #tpu.memory_space<vmem>>
      %dma_wait3A_71 = arith.constant 0 : i32
      %dma_wait3A_72 = tpu.memref_slice %arg4[%select_n3A, %select_n3A_44, %dma_wait3A_67, %dma_wait3A_71] : memref<4x4096x1x1024xf32, #tpu.memory_space<hbm>> -> memref<1x1x1x1024xf32, #tpu.memory_space<hbm>>
      %dma_wait3A_73 = tpu.memref_squeeze %dma_wait3A_72 : memref<1x1x1x1024xf32, #tpu.memory_space<hbm>> -> memref<1x1024xf32, #tpu.memory_space<hbm>>
      %dma_wait3A_74 = arith.constant 0 : i32
      %dma_wait3A_75 = tpu.memref_slice %arg4[%select_n3A, %select_n3A_44, %dma_wait3A_67, %dma_wait3A_74] : memref<4x4096x1x1024xf32, #tpu.memory_space<hbm>> -> memref<1x1x1x1024xf32, #tpu.memory_space<hbm>>
      %dma_wait3A_76 = tpu.memref_squeeze %dma_wait3A_75 : memref<1x1x1x1024xf32, #tpu.memory_space<hbm>> -> memref<1x1024xf32, #tpu.memory_space<hbm>>
      %dma_wait3A_77 = arith.constant 0 : i32
      %dma_wait3A_78 = arith.constant 0 : i32
      %dma_wait3A_79 = tpu.memref_slice %arg5[%dma_wait3A_77, %dma_wait3A_78] : memref<60x1024xf32, #tpu.memory_space<vmem>> -> memref<1x1024xf32, #tpu.memory_space<vmem>>
      tpu.wait_dma2 semaphore(%arg7 : memref<!tpu.dma_semaphore, #tpu.memory_space<semaphore_mem>>) src(%dma_wait3A_79 : memref<1x1024xf32, #tpu.memory_space<vmem>>) dst(%dma_wait3A_76 : memref<1x1024xf32, #tpu.memory_space<hbm>>)
      %scan3A_80 = arith.constant 0 : i32
      scf.yield %scan3A_80 : i32
    }
    %scan3A_64 = arith.constant 16 : i32
    return
  }
}

</mosaic_0001>

<sc_bundles>
// kernel: kernel.3.cloned.1.call-start
scs
__scs_entry_jumppad:
0x0: {  	(pc) =	sbr.rel $0x88, $3  }
0x1: {  	(tag) =	ssettag $0x0;
	lr =	simm.s32 $0x1  }
0x2: {  	[smem:$0x3F9F] =	sst lr;
	_ =	strace $0xD0000000  }
0x3: {  	_ = 	snop  }
0x4: {  	_ = 	snop  }
0x5: {  	_ = 	snop  }
0x6: {  	_ = 	snop  }
0x7: {  	_ = 	snop  }
__scs_overlays_trampoline_lowered:
0x8: {  	[smem:$0x3FAE] =	sst s0  }
0x9: {  	[smem:$0x3FAF] =	sst s1  }
0xa: {  	[smem:$0x3FB0] =	sst s2  }
0xb: {  	[smem:$0x3FB1] =	sst s3  }
0xc: {  	[smem:$0x3FB2] =	sst s4  }
0xd: {  	[smem:$0x3FB3] =	sst s5  }
0xe: {  	[smem:$0x3FB4] =	sst s6  }
0xf: {  	[smem:$0x3FB5] =	sst s7  }
0x10: {  	[smem:$0x3FB6] =	sst s8  }
0x11: {  	[smem:$0x3FB7] =	sst s9;
	s0 =	simm.s32 @!p0 $0x0  }
0x12: {  	s1 =	sld [smem:$0x3F9D];
	s0 =	simm.s32 @p0 $0x1  }
0x13: {  	[smem:$0x3FB8] =	sst s0;
	s0 =	simm.s32 @!p1 $0x0  }
0x14: {  	s2 =	sld [smem:$0x3F9C];
	s0 =	simm.s32 @p1 $0x1  }
0x15: {  	[smem:$0x3FB9] =	sst s0;
	s0 =	simm.s32 @!p2 $0x0  }
0x16: {  	s3 =	sld [smem:$0x3FDB];
	s0 =	simm.s32 @p2 $0x1  }
0x17: {  	s4 =	simm.s32 $0x1BF5;
	[smem:$0x3FBB] =	sst s0  }
0x18: {  	s0 =	sld [smem:$0x3F9E];
	_ =	swait.ge [sflag:s4], $0x0  }
0x19: {  	s7 =	sld [smem:$0x3F9F]  }
0x1a: {  	s8 =	sadd.s32 $0xFFFFE003, lr  }
0x1b: {  	s9 =	sadd.s32 $0xFFFFFEF7, lr;
	s5 =	simm.s32 $0xFFFFFFFF;
	p2 =	slt.u32 s8, $0xFFFFF086  }
0x1c: {  	p1 =	slt.u32 s9, $0xF7A;
	s5 =	simm.s32 @!p2 $0x0  }
0x1d: {  	s5 =	simm.s32 @p1 $0x1;
	p0 =	seq.s32 s7, s2  }
0x1e: {  	s7 =	smul.u32 @!p0 $0xF7A, s2;
	p2 =	seq.s32 @!p0 s5, $0x0  }
0x1f: {  	s9 =	smul.u32 $0xF7A, s1;
	s8 =	simm.s32 @!p0 $0x1BF5;
	p2 =	por !p2, p0  }
0x20: {  	[sflag:s8] =	ssyncset.s32 @!p0 $0xFFFFF086;
	s6 =	sadd.s32 @!p0 s3, s7;
	s7 =	simm.s32 @!p0 $0x108  }
0x21: {  	s3 =	sadd.s32 s3, s9;
	s6 =	sadd.s32 @!p0 $0x88, s6;
	s7 =	simm.s32 @p2 $0x1082  }
0x22: {  	[simem:s7], [sflag:s8] =	dma.local @!p0 [hbm:s6], $0xF7A  }
0x23: {  	s9 =	sor.u32 $0xD0000000, s2;
	s6 =	simm.s32 $0x108;
	_ =	swait.ge @!p0 [sflag:s8], $0x0  }
0x24: {  	s3 =	sadd.s32 $0x88, s3;
	s6 =	simm.s32 @!p1 $0x1082;
	[sflag:s4] =	ssyncset.s32 $0xFFFFF086  }
0x25: {  	[simem:s6], [sflag:s4] =	dma.local [hbm:s3], $0xF7A  }
0x26: {  	[smem:$0x3F9F] =	sst s1;
	(tag) =	ssettag s2;
	_ =	strace s9  }
0x27: {  	s1 =	sld [smem:$0x3FAF]  }
0x28: {  	s2 =	sld [smem:$0x3FB0]  }
0x29: {  	s4 =	sld [smem:$0x3FB2]  }
0x2a: {  	p0 =	seq.s32 s5, $0x0;
	s5 =	sld [smem:$0x3FB3]  }
0x2b: {  	s6 =	sld [smem:$0x3FB4]  }
0x2c: {  	s7 =	sld [smem:$0x3FB5]  }
0x2d: {  	s3 =	simm.s32 $0x108;
	s8 =	sld [smem:$0x3FB6]  }
0x2e: {  	s3 =	simm.s32 @!p0 $0x1082;
	s9 =	sld [smem:$0x3FB7]  }
0x2f: {  	lr =	sadd.s32 s0, s3;
	s0 =	sld [smem:$0x3FAE]  }
0x30: {  	s3 =	sld [smem:$0x3FB1]  }
0x31: {  	[smem:$0x3FBA] =	sst s10  }
0x32: {  	s10 =	sld [smem:$0x3FB8];
	_ =	sdelay $0x3  }
0x33: {  	p0 =	seq.s32 s10, $0x1;
	s10 =	sld [smem:$0x3FBA];
	_ =	sdelay $0x3  }
0x34: {  	[smem:$0x3FBA] =	sst s10  }
0x35: {  	s10 =	sld [smem:$0x3FB9];
	_ =	sdelay $0x3  }
0x36: {  	p1 =	seq.s32 s10, $0x1;
	s10 =	sld [smem:$0x3FBA];
	_ =	sdelay $0x3  }
0x37: {  	[smem:$0x3FBA] =	sst s10  }
0x38: {  	s10 =	sld [smem:$0x3FBB]  }
0x39: {  	_ = 	snop;
	(pc) =	sbr.ind lr, $3  }
0x3a: {  	_ = 	snop  }
0x3b: {  	_ = 	snop  }
0x3c: {  	p2 =	seq.s32 s10, $0x1;
	s10 =	sld [smem:$0x3FBA]  }
0x3d: {  	_ =	shalt  }
0x3e: {  	_ =	shalt  }
0x3f: {  	_ =	shalt  }
0x40: {  	_ =	shalt  }
0x41: {  	_ =	shalt  }
0x42: {  	_ =	shalt  }
0x43: {  	_ =	shalt  }
0x44: {  	_ =	shalt  }
0x45: {  	_ =	shalt  }
0x46: {  	_ =	shalt  }
0x47: {  	_ =	shalt  }
0x48: {  	_ =	shalt  }
0x49: {  	_ =	shalt  }
0x4a: {  	_ =	shalt  }
0x4b: {  	_ =	shalt  }
0x4c: {  	_ =	shalt  }
0x4d: {  	_ =	shalt  }
0x4e: {  	_ =	shalt  }
0x4f: {  	_ =	shalt  }
0x50: {  	_ =	shalt  }
0x51: {  	_ =	shalt  }
0x52: {  	_ =	shalt  }
0x53: {  	_ =	shalt  }
0x54: {  	_ =	shalt  }
0x55: {  	_ =	shalt  }
0x56: {  	_ =	shalt  }
0x57: {  	_ =	shalt  }
0x58: {  	_ =	shalt  }
0x59: {  	_ =	shalt  }
0x5a: {  	_ =	shalt  }
0x5b: {  	_ =	shalt  }
0x5c: {  	_ =	shalt  }
0x5d: {  	_ =	shalt  }
0x5e: {  	_ =	shalt  }
0x5f: {  	_ =	shalt  }
0x60: {  	_ =	shalt  }
0x61: {  	_ =	shalt  }
0x62: {  	_ =	shalt  }
0x63: {  	_ =	shalt  }
0x64: {  	_ =	shalt  }
0x65: {  	_ =	shalt  }
0x66: {  	_ =	shalt  }
0x67: {  	_ =	shalt  }
0x68: {  	_ =	shalt  }
0x69: {  	_ =	shalt  }
0x6a: {  	_ =	shalt  }
0x6b: {  	_ =	shalt  }
0x6c: {  	_ =	shalt  }
0x6d: {  	_ =	shalt  }
0x6e: {  	_ =	shalt  }
0x6f: {  	_ =	shalt  }
0x70: {  	_ =	shalt  }
0x71: {  	_ =	shalt  }
0x72: {  	_ =	shalt  }
0x73: {  	_ =	shalt  }
0x74: {  	_ =	shalt  }
0x75: {  	_ =	shalt  }
0x76: {  	_ =	shalt  }
0x77: {  	_ =	shalt  }
0x78: {  	_ =	shalt  }
0x79: {  	_ =	shalt  }
0x7a: {  	_ =	shalt  }
0x7b: {  	_ =	shalt  }
0x7c: {  	_ =	shalt  }
0x7d: {  	_ =	shalt  }
0x7e: {  	_ =	shalt  }
0x7f: {  	_ =	shalt  }
0x80: {  	_ =	shalt  }
0x81: {  	_ =	shalt  }
0x82: {  	_ =	shalt  }
0x83: {  	_ =	shalt  }
0x84: {  	_ =	shalt  }
0x85: {  	_ =	shalt  }
0x86: {  	_ =	shalt  }
0x87: {  	_ =	shalt  }
.Lfunc_end0:
.L_simem_size_0:
called_computation_lowered:
.L_overlay_start_0:
0x88: {  	s2 =	sld [smem:$0x3FD9]  }
0x89: {  	s3 =	sld [smem:$0x3FFE];
	_ =	sdelay $0x1  }
0x8a: {  	s1 =	srdreg.scid  }
0x8b: {  	s0 =	sand.u32 $0x1, s1  }
0x8c: {  	s17 =	sshll.u32 s0, $0xA;
	s2 =	sadd.s32 s3, s2  }
0x8d: {  	s2 =	sadd.s32 s2, s17  }
0x8e: {  	[smem:$0x3FC6] =	sst s2  }
0x8f: {  	_ = 	snop  }
0x90: {  	s2 =	sld [smem:$0x3FC8]  }
0x91: {  	s18 =	sld [smem:$0x3FD0];
	(tm) =	ssettm $0x1  }
0x92: {  	s4 =	sld [smem:$0x3FFB];
	_ =	sdelay $0x3  }
0x93: {  	_ =	strace s4  }
0x94: {  	s4 =	sld [smem:$0x3FFC];
	_ =	sdelay $0x3  }
0x95: {  	_ =	strace s4  }
0x96: {  	s4 =	sld [smem:$0x3FFD];
	_ =	sdelay $0x3  }
0x97: {  	_ =	strace s4  }
0x98: {  	_ =	strace $0x8FFFFFFF  }
0x99: {  	s19 =	sld [smem:$0x3FDB];
	_ =	sdelay $0x1  }
0x9a: {  	s5 =	simm.s32 $_scs_section_size  }
0x9b: {  	s6 =	simm.s32 $_size__tile_overlayer_lowered;
	s7 =	simm.s32 $_tile_overlayer_lowered  }
0x9c: {  	s22 =	simm.s32 $0x1BFF;
	s21 =	sshll.u32 s7, $0x1;
	s4 =	sadd.s32 s5, s19  }
0x9d: {  	s8 =	simm.s32 $0x0;
	s20 =	sshll.u32 s6, $0x1;
	s6 =	sadd.s32 s21, s4  }
0x9e: {  	[timem:s8], [sflag:s22] =	dma.local [hbm:s6], s20  }
0x9f: {  	_ =	swait.ge [sflag:s22], s20  }
0xa0: {  	s5 =	ssub.s32 $0x0, s20;
	[sflag:s22] =	ssyncset.done $0x0  }
0xa1: {  	[sflag:s22] =	ssyncadd.s32 s5;
	_ =	sdelay $0x1  }
0xa2: {  	s23 =	simm.s32 $0x1B8B  }
0xa3: {  	_ =	swait.ge [sflag:s23], $0x1  }
0xa4: {  	[sflag:s23] =	ssyncset.done $0x0  }
0xa5: {  	s25 =	simm.s32 $0x1B8E;
	s24 =	sld [smem:$0x3FFE];
	[sflag:s23] =	ssyncadd.s32 $0xFFFFFFFF  }
0xa6: {  	s26 =	simm.s32 $execute0_lowered;
	[smem:$0x3FD2] =	sst s25  }
0xa7: {  	s6 =	sshll.u32 s26, $0x1;
	_ =	strace $0x80000046;
	[dreg:$0x1] =	wrdreg $0xFFFFFFFF  }
0xa8: {  	s28 =	simm.s32 $_size_execute0_lowered;
	s4 =	sadd.s32 s4, s6;
	[dreg:$0x0] =	wrdreg $0x0  }
0xa9: {  	s6 =	sshll.u32 s28, $0x1;
	[dreg:$0x2] =	wrdreg s4  }
0xaa: {  	[dreg:$0x3] =	wrdreg s6  }
0xab: {  	[dreg:$0x4] =	wrdreg $0xC0  }
0xac: {  	_ =	task [dreg:s8], $0x5FFFF  }
0xad: {  	[dreg:$0x1] =	wrdreg $0xFFFFFFFF  }
0xae: {  	[dreg:$0x0] =	wrdreg $0x60  }
0xaf: {  	[dreg:$0x2] =	wrdreg s2  }
0xb0: {  	[dreg:$0x3] =	wrdreg s24  }
0xb1: {  	[dreg:$0x4] =	wrdreg s18  }
0xb2: {  	[dreg:$0x5] =	wrdreg $0x9  }
0xb3: {  	_ =	task.clear_ibuf [dreg:s8], $0x6FFFF;
	_ =	strace $0x90000046  }
0xb4: {  	s29 =	simm.s32 $0x9;
	_ =	strace $0x80000048  }
0xb5: {  	_ =	swait.ge [sflag:s29], $0x1  }
0xb6: {  	[sflag:s29] =	ssyncadd.s32 $0xFFFFFFFF  }
0xb7: {  	_ =	strace $0x90000048  }
0xb8: {  	_ =	sfence  }
0xb9: {  	s30 =	sld [smem:$0x0];
	_ =	sdelay $0x2  }
0xba: {  	s31 =	sshll.u32 s1, $0xD;
	s1 =	sshrl.u32 s1, $0x2  }
0xbb: {  	s3 =	sand.u32 $0x4000, s31;
	s1 =	sadd.s32 s1, s30  }
0xbc: {  	s0 =	sor.u32 s3, s0;
	s1 =	sshll.u32 s1, $0x11  }
0xbd: {  	s0 =	sor.u32 s1, s0  }
0xbe: {  	s0 =	sadd.s32 $0x8F2B, s0  }
0xbf: {  	[sflag:s0] =	ssyncadd.remote.s32 $0x1  }
0xc0: {  	_ =	sfence.sel $0xFFFF  }
0xc1: {  	[dreg:$0x0] =	wrdreg $0xFFFFFFFF;
	(pc) =	sbr.abs _section_cstart, $3  }
0xc2: {  	[dreg:$0x1] =	wrdreg $0xFFFFFFFF  }
0xc3: {  	_ =	task.clear_ibuf [dreg:s8], $0x2FFFF;
	_ =	strace $0x9FFFFFFF  }
0xc4: {  	(tm) =	ssettm $0x7FFFFFFF  }
0xc5: {  	_ =	shalt  }
tec
execute0_lowered:
.L_overlay_start_1:
0x0: {  	(tag) =	ssettag $0x1  }
0x1: {  	s1 =	rddreg [dreg:$0x0];
	s2 =	srdreg.scid  }
0x2: {  	s4 =	rddreg [dreg:$0x1];
	s0 =	stileid.u32  }
0x3: {  	s6 =	rddreg [dreg:$0x2];
	s3 =	simm.s32 $0x0;
	s10 =	simm.s32 $0x1  }
0x4: {  	s11 =	simm.s32 $0x0;
	s5 =	sand.u32 $0x1, s2;
	s2 =	rddreg [dreg:$0x3]  }
0x5: {  	s7 =	sshll.u32 s0, $0xA;
	[smem:$0x7FF] =	sst s3;
	s8 =	sshll.u32 s5, $0x9  }
0x6: {  	s30 =	sshll.u32 s0, $0x11;
	s5 =	ssub.s32 $0x2, s5;
	s7 =	sor.u32 s8, s7  }
0x7: {  	_ =	strace $0x80000047;
	s9 =	sshrl.u32 s5, $0x1;
	s8 =	sshrl.u32 s7, $0x3  }
0x8: {  	s7 =	sshll.u32 s7, $0x7;
	s4 =	sadd.s32 s8, s4;
	s8 =	sand.u32 $0x180000, s30  }
0x9: {  	s31 =	ssub.s32 s5, s9;
	s7 =	sand.u32 $0x70000, s7;
	s6 =	sadd.s32 s8, s6  }
0xa: {  	s9 =	simm.s32 $0x2;
	s4 =	sadd.s32 $0x400, s4;
	s5 =	sadd.s32 s7, s6  }
0xb: {  	s8 =	simm.s32 $0x10000;
	s6 =	smax.u32 s31, $0x1;
	s7 =	sadd.s32 $0x800, s5  }
.LBB2_1:
0xc: {  	[tilespmem:s3], [sflag:$0x2] =	stream.linear.gather [hbm4b:s1+s3], $0x10000, $0x38;
	[tilespmem:$0x10280] =	vst v63  }
0xd: {  	_ = 	snop  }
0xe: {  	[tilespmem:s8], [sflag:$0x2] =	stream.linear.gather [hbm4b:s4+s3], $0x200, $0x38;
	[tilespmem:$0x10280] =	vst v63  }
0xf: {  	_ =	swait.ge [sflag:s9], $0x10000  }
0x10: {  	[sflag:s9] =	ssyncset.done $0x0  }
0x11: {  	[sflag:s9] =	ssyncadd.s32 $0xFFFF0000  }
0x12: {  	_ =	swait.ge [sflag:s9], $0x200  }
0x13: {  	[sflag:s9] =	ssyncset.done $0x0  }
0x14: {  	s12 =	simm.s32 $0x0;
	[sflag:s9] =	ssyncadd.s32 $0xFFFFFE00  }
0x15: {  	v0 =	vld [tilespmem:s12+$0x10000];
	_ =	sdelay $0x4  }
0x16: {  	(v2sf) =	vpush v0, $0x0;
	_ =	sdelay $0xe  }
0x17: {  	s20 =	spop (v2sf)  }
0x18: {  	s13 =	sshll.u32 s20, $0xA;
	s12 =	sshll.u32 s20, $0x7  }
0x19: {  	s13 =	sand.u32 $0xFFFFE000, s13;
	s12 =	sand.u32 $0x380, s12  }
0x1a: {  	s12 =	sor.u32 s12, s13  }
0x1b: {  	[hbm4b:s5+s3] =	stream.linear.scatter [tilespmem:s12], [sflag:$0x1], $0x80, $0x38;
	[tilespmem:$0x10280] =	vst v63  }
0x1c: {  	s14 =	sadd.s32 $0x10, s5;
	s13 =	sor.u32 $0x400, s12  }
0x1d: {  	[hbm4b:s14+s3] =	stream.linear.scatter [tilespmem:s13], [sflag:$0x1], $0x80, $0x38;
	[tilespmem:$0x10280] =	vst v63  }
0x1e: {  	s22 =	sadd.s32 $0x20, s5;
	s24 =	sadd.s32 $0x30, s5;
	s21 =	sor.u32 $0x800, s12  }
0x1f: {  	[hbm4b:s22+s3] =	stream.linear.scatter [tilespmem:s21], [sflag:$0x1], $0x80, $0x38;
	[tilespmem:$0x10280] =	vst v63  }
0x20: {  	s26 =	sadd.s32 $0x40, s5;
	s29 =	sadd.s32 $0x50, s5;
	s23 =	sor.u32 $0xC00, s12  }
0x21: {  	[hbm4b:s24+s3] =	stream.linear.scatter [tilespmem:s23], [sflag:$0x1], $0x80, $0x38;
	[tilespmem:$0x10280] =	vst v63  }
0x22: {  	s31 =	sadd.s32 $0x60, s5;
	s16 =	sadd.s32 $0x70, s5;
	s25 =	sor.u32 $0x1000, s12  }
0x23: {  	[hbm4b:s26+s3] =	stream.linear.scatter [tilespmem:s25], [sflag:$0x1], $0x80, $0x38;
	[tilespmem:$0x10280] =	vst v63  }
0x24: {  	s28 =	sor.u32 $0x1400, s12;
	s30 =	sor.u32 $0x1800, s12;
	s15 =	sor.u32 $0x1C00, s12  }
0x25: {  	[hbm4b:s29+s3] =	stream.linear.scatter [tilespmem:s28], [sflag:$0x1], $0x80, $0x38;
	[tilespmem:$0x10280] =	vst v63  }
0x26: {  	s12 =	sadd.s32 $0x80, s5;
	s13 =	simm.s32 $0x1;
	s14 =	simm.s32 $0x8  }
0x27: {  	[hbm4b:s31+s3] =	stream.linear.scatter [tilespmem:s30], [sflag:$0x1], $0x80, $0x38;
	[tilespmem:$0x10280] =	vst v63  }
.LBB2_2:
0x28: {  	[hbm4b:s16+s3] =	stream.linear.scatter [tilespmem:s15], [sflag:$0x1], $0x80, $0x38;
	[tilespmem:$0x10280] =	vst v63  }
0x29: {  	p0 =	sne.s32 s14, $0x3C;
	v0 =	vld [tilespmem:s13+$0x10000];
	s13 =	sshra.s32 s14, $0x2;
	s14 =	sadd.s32 $0x4, s14  }
0x2a: {  	_ =	sdelay $0x3  }
0x2b: {  	(v2sf) =	vpush v0, $0x0;
	_ =	sdelay $0xe  }
0x2c: {  	s15 =	spop (v2sf)  }
0x2d: {  	s16 =	sshll.u32 s15, $0xA;
	s15 =	sshll.u32 s15, $0x7  }
0x2e: {  	s16 =	sand.u32 $0xFFFFE000, s16;
	s15 =	sand.u32 $0x380, s15  }
0x2f: {  	s15 =	sor.u32 s15, s16  }
0x30: {  	[hbm4b:s12+s3] =	stream.linear.scatter [tilespmem:s15], [sflag:$0x1], $0x80, $0x38;
	[tilespmem:$0x10280] =	vst v63  }
0x31: {  	s17 =	sadd.s32 $0x10, s12;
	s16 =	sor.u32 $0x400, s15  }
0x32: {  	[hbm4b:s17+s3] =	stream.linear.scatter [tilespmem:s16], [sflag:$0x1], $0x80, $0x38;
	[tilespmem:$0x10280] =	vst v63  }
0x33: {  	s16 =	sor.u32 $0x800, s15;
	s17 =	sadd.s32 $0x20, s12  }
0x34: {  	[hbm4b:s17+s3] =	stream.linear.scatter [tilespmem:s16], [sflag:$0x1], $0x80, $0x38;
	[tilespmem:$0x10280] =	vst v63  }
0x35: {  	s16 =	sor.u32 $0xC00, s15;
	s17 =	sadd.s32 $0x30, s12  }
0x36: {  	[hbm4b:s17+s3] =	stream.linear.scatter [tilespmem:s16], [sflag:$0x1], $0x80, $0x38;
	[tilespmem:$0x10280] =	vst v63  }
0x37: {  	s16 =	sor.u32 $0x1000, s15;
	s17 =	sadd.s32 $0x40, s12  }
0x38: {  	[hbm4b:s17+s3] =	stream.linear.scatter [tilespmem:s16], [sflag:$0x1], $0x80, $0x38;
	[tilespmem:$0x10280] =	vst v63  }
.Ltmp0:
0x39: {  	s16 =	sor.u32 $0x1400, s15;
	s17 =	sadd.s32 $0x50, s12;
	(pc) =	sbr.rel @p0 .LBB2_2-.Ltmp0, $4  }
0x3a: {  	[hbm4b:s17+s3] =	stream.linear.scatter [tilespmem:s16], [sflag:$0x1], $0x80, $0x38;
	[tilespmem:$0x10280] =	vst v63  }
0x3b: {  	s16 =	sor.u32 $0x1800, s15;
	s17 =	sadd.s32 $0x60, s12  }
0x3c: {  	[hbm4b:s17+s3] =	stream.linear.scatter [tilespmem:s16], [sflag:$0x1], $0x80, $0x38;
	[tilespmem:$0x10280] =	vst v63  }
0x3d: {  	s15 =	sor.u32 $0x1C00, s15;
	s16 =	sadd.s32 $0x70, s12;
	s12 =	sadd.s32 $0x80, s12  }
0x3e: {  	[hbm4b:s16+s3] =	stream.linear.scatter [tilespmem:s15], [sflag:$0x1], $0x80, $0x38;
	[tilespmem:$0x10280] =	vst v63  }
0x3f: {  	v0 =	vld [tilespmem:s13+$0x10000];
	_ =	sdelay $0x4  }
0x40: {  	(v2sf) =	vpush v0, $0x0;
	_ =	sdelay $0xe  }
0x41: {  	s19 =	spop (v2sf)  }
0x42: {  	s14 =	sshll.u32 s19, $0xA;
	s13 =	sshll.u32 s19, $0x7  }
0x43: {  	s14 =	sand.u32 $0xFFFFE000, s14;
	s13 =	sand.u32 $0x380, s13  }
0x44: {  	s13 =	sor.u32 s13, s14  }
0x45: {  	[hbm4b:s12+s3] =	stream.linear.scatter [tilespmem:s13], [sflag:$0x1], $0x80, $0x38;
	[tilespmem:$0x10280] =	vst v63  }
0x46: {  	s20 =	sadd.s32 $0x10, s12;
	s14 =	sor.u32 $0x400, s13  }
0x47: {  	[hbm4b:s20+s3] =	stream.linear.scatter [tilespmem:s14], [sflag:$0x1], $0x80, $0x38;
	[tilespmem:$0x10280] =	vst v63  }
0x48: {  	s22 =	sadd.s32 $0x20, s12;
	s21 =	sor.u32 $0x800, s13  }
0x49: {  	[hbm4b:s22+s3] =	stream.linear.scatter [tilespmem:s21], [sflag:$0x1], $0x80, $0x38;
	[tilespmem:$0x10280] =	vst v63  }
0x4a: {  	s24 =	sadd.s32 $0x30, s12;
	s23 =	sor.u32 $0xC00, s13  }
0x4b: {  	[hbm4b:s24+s3] =	stream.linear.scatter [tilespmem:s23], [sflag:$0x1], $0x80, $0x38;
	[tilespmem:$0x10280] =	vst v63  }
0x4c: {  	s26 =	sadd.s32 $0x40, s12;
	s25 =	sor.u32 $0x1000, s13  }
0x4d: {  	[hbm4b:s26+s3] =	stream.linear.scatter [tilespmem:s25], [sflag:$0x1], $0x80, $0x38;
	[tilespmem:$0x10280] =	vst v63  }
0x4e: {  	s29 =	sadd.s32 $0x50, s12;
	s28 =	sor.u32 $0x1400, s13  }
0x4f: {  	[hbm4b:s29+s3] =	stream.linear.scatter [tilespmem:s28], [sflag:$0x1], $0x80, $0x38;
	[tilespmem:$0x10280] =	vst v63  }
0x50: {  	s31 =	sadd.s32 $0x60, s12;
	s30 =	sor.u32 $0x1800, s13  }
0x51: {  	[hbm4b:s31+s3] =	stream.linear.scatter [tilespmem:s30], [sflag:$0x1], $0x80, $0x38;
	[tilespmem:$0x10280] =	vst v63  }
0x52: {  	s16 =	sadd.s32 $0x70, s12;
	s13 =	sor.u32 $0x1C00, s13  }
0x53: {  	[hbm4b:s16+s3] =	stream.linear.scatter [tilespmem:s13], [sflag:$0x1], $0x80, $0x38;
	[tilespmem:$0x10280] =	vst v63  }
0x54: {  	_ =	swait.ge [sflag:s10], $0x400  }
0x55: {  	[sflag:s10] =	ssyncset.done $0x0  }
0x56: {  	s17 =	simm.s32 $0x10;
	[sflag:s10] =	ssyncadd.s32 $0xFFFFFC00  }
0x57: {  	v63 =	vld [tilespmem:s17+$0x10000];
	_ =	sdelay $0x4  }
0x58: {  	(v2sf) =	vpush v63, $0x0;
	_ =	sdelay $0xe  }
0x59: {  	s18 =	spop (v2sf)  }
0x5a: {  	s19 =	sshll.u32 s18, $0xA;
	s12 =	sshll.u32 s18, $0x7  }
0x5b: {  	s13 =	sand.u32 $0xFFFFE000, s19;
	s12 =	sand.u32 $0x380, s12  }
0x5c: {  	s13 =	sor.u32 s12, s13  }
0x5d: {  	[hbm4b:s7+s3] =	stream.linear.scatter [tilespmem:s13], [sflag:$0x1], $0x80, $0x38;
	[tilespmem:$0x10280] =	vst v63  }
0x5e: {  	s20 =	sadd.s32 $0x10, s7;
	s12 =	sor.u32 $0x400, s13  }
0x5f: {  	[hbm4b:s20+s3] =	stream.linear.scatter [tilespmem:s12], [sflag:$0x1], $0x80, $0x38;
	[tilespmem:$0x10280] =	vst v63  }
0x60: {  	s22 =	sadd.s32 $0x20, s7;
	s21 =	sor.u32 $0x800, s13  }
0x61: {  	[hbm4b:s22+s3] =	stream.linear.scatter [tilespmem:s21], [sflag:$0x1], $0x80, $0x38;
	[tilespmem:$0x10280] =	vst v63  }
0x62: {  	s15 =	sadd.s32 $0x70, s7;
	s24 =	sadd.s32 $0x30, s7;
	s23 =	sor.u32 $0xC00, s13  }
0x63: {  	[hbm4b:s24+s3] =	stream.linear.scatter [tilespmem:s23], [sflag:$0x1], $0x80, $0x38;
	[tilespmem:$0x10280] =	vst v63  }
0x64: {  	s26 =	sadd.s32 $0x40, s7;
	s29 =	sadd.s32 $0x50, s7;
	s25 =	sor.u32 $0x1000, s13  }
0x65: {  	[hbm4b:s26+s3] =	stream.linear.scatter [tilespmem:s25], [sflag:$0x1], $0x80, $0x38;
	[tilespmem:$0x10280] =	vst v63  }
0x66: {  	s31 =	sadd.s32 $0x60, s7;
	s28 =	sor.u32 $0x1400, s13;
	s30 =	sor.u32 $0x1800, s13  }
0x67: {  	[hbm4b:s29+s3] =	stream.linear.scatter [tilespmem:s28], [sflag:$0x1], $0x80, $0x38;
	[tilespmem:$0x10280] =	vst v63  }
0x68: {  	s14 =	sor.u32 $0x1C00, s13;
	s13 =	sadd.s32 $0x80, s7;
	s12 =	simm.s32 $0x44  }
0x69: {  	[hbm4b:s31+s3] =	stream.linear.scatter [tilespmem:s30], [sflag:$0x1], $0x80, $0x38;
	[tilespmem:$0x10280] =	vst v63  }
.LBB2_4:
0x6a: {  	[hbm4b:s15+s3] =	stream.linear.scatter [tilespmem:s14], [sflag:$0x1], $0x80, $0x38;
	[tilespmem:$0x10280] =	vst v63  }
0x6b: {  	s14 =	smov.u32 s12  }
0x6c: {  	p0 =	sne.s32 s12, $0x7FC;
	s12 =	sadd.s32 $0x4, s12;
	_ =	swait.ge [sflag:s10], $0x400  }
0x6d: {  	[sflag:s10] =	ssyncset.done $0x0  }
0x6e: {  	s14 =	sshra.s32 s14, $0x2;
	[sflag:s10] =	ssyncadd.s32 $0xFFFFFC00  }
0x6f: {  	v0 =	vld [tilespmem:s14+$0x10000];
	_ =	sdelay $0x4  }
0x70: {  	(v2sf) =	vpush v0, $0x0;
	_ =	sdelay $0xe  }
0x71: {  	s14 =	spop (v2sf)  }
0x72: {  	s15 =	sshll.u32 s14, $0xA;
	s14 =	sshll.u32 s14, $0x7  }
0x73: {  	s15 =	sand.u32 $0xFFFFE000, s15;
	s14 =	sand.u32 $0x380, s14  }
0x74: {  	s14 =	sor.u32 s14, s15  }
0x75: {  	[hbm4b:s13+s3] =	stream.linear.scatter [tilespmem:s14], [sflag:$0x1], $0x80, $0x38;
	[tilespmem:$0x10280] =	vst v63  }
0x76: {  	s16 =	sadd.s32 $0x10, s13;
	s15 =	sor.u32 $0x400, s14  }
0x77: {  	[hbm4b:s16+s3] =	stream.linear.scatter [tilespmem:s15], [sflag:$0x1], $0x80, $0x38;
	[tilespmem:$0x10280] =	vst v63  }
0x78: {  	s15 =	sor.u32 $0x800, s14;
	s16 =	sadd.s32 $0x20, s13  }
0x79: {  	[hbm4b:s16+s3] =	stream.linear.scatter [tilespmem:s15], [sflag:$0x1], $0x80, $0x38;
	[tilespmem:$0x10280] =	vst v63  }
0x7a: {  	s15 =	sor.u32 $0xC00, s14;
	s16 =	sadd.s32 $0x30, s13  }
0x7b: {  	[hbm4b:s16+s3] =	stream.linear.scatter [tilespmem:s15], [sflag:$0x1], $0x80, $0x38;
	[tilespmem:$0x10280] =	vst v63  }
0x7c: {  	s15 =	sor.u32 $0x1000, s14;
	s16 =	sadd.s32 $0x40, s13  }
0x7d: {  	[hbm4b:s16+s3] =	stream.linear.scatter [tilespmem:s15], [sflag:$0x1], $0x80, $0x38;
	[tilespmem:$0x10280] =	vst v63  }
.Ltmp1:
0x7e: {  	s15 =	sor.u32 $0x1400, s14;
	s16 =	sadd.s32 $0x50, s13;
	(pc) =	sbr.rel @p0 .LBB2_4-.Ltmp1, $4  }
0x7f: {  	[hbm4b:s16+s3] =	stream.linear.scatter [tilespmem:s15], [sflag:$0x1], $0x80, $0x38;
	[tilespmem:$0x10280] =	vst v63  }
0x80: {  	s15 =	sor.u32 $0x1800, s14;
	s16 =	sadd.s32 $0x60, s13  }
0x81: {  	[hbm4b:s16+s3] =	stream.linear.scatter [tilespmem:s15], [sflag:$0x1], $0x80, $0x38;
	[tilespmem:$0x10280] =	vst v63  }
0x82: {  	s14 =	sor.u32 $0x1C00, s14;
	s15 =	sadd.s32 $0x70, s13;
	s13 =	sadd.s32 $0x80, s13  }
0x83: {  	[hbm4b:s15+s3] =	stream.linear.scatter [tilespmem:s14], [sflag:$0x1], $0x80, $0x38;
	[tilespmem:$0x10280] =	vst v63  }
0x84: {  	_ =	swait.ge [sflag:s10], $0x400  }
0x85: {  	[sflag:s10] =	ssyncset.done $0x0  }
0x86: {  	[sflag:s10] =	ssyncadd.s32 $0xFFFFFC00  }
0x87: {  	_ =	swait.ge [sflag:s10], $0x400  }
0x88: {  	[sflag:s10] =	ssyncset.done $0x0  }
0x89: {  	[sflag:s10] =	ssyncadd.s32 $0xFFFFFC00  }
0x8a: {  	_ =	swait.ge [sflag:s10], $0x400  }
0x8b: {  	[sflag:s10] =	ssyncset.done $0x0  }
0x8c: {  	[sflag:s10] =	ssyncadd.s32 $0xFFFFFC00  }
0x8d: {  	_ =	swait.ge [sflag:s10], $0x400  }
0x8e: {  	[sflag:s10] =	ssyncset.done $0x0  }
0x8f: {  	[sflag:s10] =	ssyncadd.s32 $0xFFFFFC00  }
0x90: {  	_ =	swait.ge [sflag:s10], $0x400  }
0x91: {  	[sflag:s10] =	ssyncset.done $0x0  }
0x92: {  	[sflag:s10] =	ssyncadd.s32 $0xFFFFFC00  }
0x93: {  	_ =	swait.ge [sflag:s10], $0x400  }
0x94: {  	[sflag:s10] =	ssyncset.done $0x0  }
0x95: {  	[sflag:s10] =	ssyncadd.s32 $0xFFFFFC00  }
0x96: {  	_ =	swait.ge [sflag:s10], $0x400  }
0x97: {  	[sflag:s10] =	ssyncset.done $0x0  }
0x98: {  	[sflag:s10] =	ssyncadd.s32 $0xFFFFFC00  }
0x99: {  	_ =	swait.ge [sflag:s10], $0x400  }
0x9a: {  	[sflag:s10] =	ssyncset.done $0x0  }
0x9b: {  	[sflag:s10] =	ssyncadd.s32 $0xFFFFFC00  }
0x9c: {  	_ =	swait.ge [sflag:s10], $0x400  }
0x9d: {  	[sflag:s10] =	ssyncset.done $0x0  }
0x9e: {  	[sflag:s10] =	ssyncadd.s32 $0xFFFFFC00  }
0x9f: {  	_ =	swait.ge [sflag:s10], $0x400  }
0xa0: {  	[sflag:s10] =	ssyncset.done $0x0  }
0xa1: {  	[sflag:s10] =	ssyncadd.s32 $0xFFFFFC00  }
0xa2: {  	_ =	swait.ge [sflag:s10], $0x400  }
0xa3: {  	[sflag:s10] =	ssyncset.done $0x0  }
0xa4: {  	[sflag:s10] =	ssyncadd.s32 $0xFFFFFC00  }
0xa5: {  	_ =	swait.ge [sflag:s10], $0x400  }
0xa6: {  	[sflag:s10] =	ssyncset.done $0x0  }
0xa7: {  	[sflag:s10] =	ssyncadd.s32 $0xFFFFFC00  }
0xa8: {  	_ =	swait.ge [sflag:s10], $0x400  }
0xa9: {  	[sflag:s10] =	ssyncset.done $0x0  }
0xaa: {  	[sflag:s10] =	ssyncadd.s32 $0xFFFFFC00  }
0xab: {  	_ =	swait.ge [sflag:s10], $0x400  }
0xac: {  	[sflag:s10] =	ssyncset.done $0x0  }
0xad: {  	s11 =	sadd.s32 $0x1, s11;
	[sflag:s10] =	ssyncadd.s32 $0xFFFFFC00  }
0xae: {  	p0 =	sne.s32 s11, s6;
	_ =	swait.ge [sflag:s10], $0x400  }
.Ltmp2:
0xaf: {  	[sflag:s10] =	ssyncset.done $0x0;
	(pc) =	sbr.rel @p0 .LBB2_1-.Ltmp2, $4  }
0xb0: {  	[sflag:s10] =	ssyncadd.s32 $0xFFFFFC00  }
0xb1: {  	_ =	swait.ge [sflag:s10], $0x400  }
0xb2: {  	[sflag:s10] =	ssyncset.done $0x0  }
0xb3: {  	[sflag:s10] =	ssyncadd.s32 $0xFFFFFC00  }
0xb4: {  	_ =	sfence.sel $0x180000  }
0xb5: {  	[bflag:$0x0] =	sbarrier.arrive $0xFFFF  }
0xb6: {  	p0 =	sne.s32 s0, $0x0;
	_ =	strace $0x90000047  }
0xb7: {  	s0 =	sadd.s32 @!p0 $0x100000, s2;
	[bflag:$0x2] =	sbarrier.arrive $0xFFFF  }
0xb8: {  	[sflag:s0] =	ssyncadd.tile.s32 @!p0 $0x1;
	_ =	shalt  }
.Lfunc_end2:
_tile_overlayer_lowered:
.L_overlay_start_2:
0xb9: {  	(tag) =	ssettag $0x2  }
0xba: {  	s0 =	rddreg [dreg:$0x0];
	s2 =	stileid.u32  }
0xbb: {  	s1 =	rddreg [dreg:$0x1];
	p0 =	sne.s32 s2, $0x0  }
0xbc: {  	s3 =	rddreg [dreg:$0x2];
	[bflag:$0x3] =	sbarrier.arrive $0xFFFF;
	s2 =	simm.s32 @!p0 $0x1C03  }
0xbd: {  	[timem:s3], [sflag:s2] =	dma.local @!p0 [hbm:s0], s1  }
0xbe: {  	s0 =	simm.s32 @!p0 $0x3  }
0xbf: {  	_ =	swait.ge @!p0 [sflag:s0], s1  }
0xc0: {  	s1 =	ssub.s32 @!p0 $0x0, s1;
	[sflag:s0] =	ssyncset.done @!p0 $0x0  }
0xc1: {  	[sflag:s0] =	ssyncadd.s32 @!p0 s1  }
0xc2: {  	[bflag:$0x3] =	sbarrier.arrive $0xFFFF  }
0xc3: {  	_ =	shalt  }

</sc_bundles>
